<compile_context>
chip_gen: v7x
topology: tpu7x:2x2x1
jax: 0.10.2.dev20260603
libtpu: 0.0.44.dev20260713+nightly
codegen_flags: <defaults>
</compile_context>

<pallas_src>
import functools

import jax
import jax.numpy as jnp
from jax import lax
from jax.experimental import pallas as pl
from jax.experimental.pallas import tpu as pltpu
from jax.experimental.pallas import tpu_sc as plsc

_MAX_SEQ = 32768
_DIM = 128
_CHUNK = 128

_info = plsc.get_sparse_core_info()
_NC, _NS, _L = _info.num_cores, _info.num_subcores, _info.num_lanes
_NW = _NC * _NS
_ROWS_PER_W = _MAX_SEQ // _NW
_NIDX = _ROWS_PER_W // _CHUNK

_GPB = 2
_BUFROWS = _CHUNK * _GPB
_NBUF = 3
_AHEAD = 2
_NBCHUNKS = _ROWS_PER_W // _BUFROWS


@functools.partial(
    pl.kernel,
    out_type=jax.ShapeDtypeStruct((_MAX_SEQ, _DIM), jnp.float32),
    mesh=plsc.VectorSubcoreMesh(core_axis_name="c", subcore_axis_name="s"),
    scratch_types=[
        pltpu.VMEM((_NIDX, _CHUNK), jnp.int32),
        pltpu.VMEM((_NBUF, _BUFROWS, _DIM), jnp.float32),
        pltpu.SemaphoreType.DMA,
        pltpu.SemaphoreType.DMA,
        pltpu.SemaphoreType.DMA,
    ],
)
def _sc_gather(weight_hbm, pos_hbm, out_hbm, idx_v, rows_v, isem, gsem, ssem):
    wid = lax.axis_index("s") * _NC + lax.axis_index("c")
    base = wid * _ROWS_PER_W
    pltpu.async_copy(pos_hbm.at[pl.ds(wid * _NIDX, _NIDX)], idx_v, isem).wait()

    def start_gathers(c):
        b = c % _NBUF
        handles = []
        for g in range(_GPB):
            handles.append(
                pltpu.async_copy(
                    weight_hbm.at[idx_v.at[c * _GPB + g]],
                    rows_v.at[b, pl.ds(g * _CHUNK, _CHUNK)],
                    gsem,
                )
            )
        return handles

    def start_store(c):
        b = c % _NBUF
        row0 = base + c * _BUFROWS
        return pltpu.async_copy(rows_v.at[b], out_hbm.at[pl.ds(row0, _BUFROWS)], ssem)

    gathers = [None] * _NBCHUNKS
    stores = [None] * _NBCHUNKS
    for c in range(min(_AHEAD, _NBCHUNKS)):
        gathers[c] = start_gathers(c)
    last_store_waited = -1
    for c in range(_NBCHUNKS):
        for h in gathers[c]:
            h.wait()
        stores[c] = start_store(c)
        n = c + _AHEAD
        if n < _NBCHUNKS:
            if n - _NBUF > last_store_waited:
                stores[n - _NBUF].wait()
                last_store_waited = n - _NBUF
            gathers[n] = start_gathers(n)
    for c in range(last_store_waited + 1, _NBCHUNKS):
        stores[c].wait()


def kernel(weight, seq_len, past_key_values_length):
    off = (
        jnp.asarray(past_key_values_length, jnp.int32)
        + jnp.asarray(seq_len, jnp.int32)
        - jnp.int32(_MAX_SEQ)
    )
    raw = lax.iota(jnp.int32, _MAX_SEQ) + off
    wrapped = jnp.where(raw < 0, raw + _MAX_SEQ, raw)
    pos = jnp.clip(wrapped, 0, _MAX_SEQ - 1).reshape(_NW * _NIDX, _CHUNK)
    return _sc_gather(weight, pos)

# --- scband reference (transcript-rebuilt; emitter-appended) ---
"""Pipeline reference for scband-rotary-sinusoidal-positional-embedding-7653631721691 (READ-ONLY COPY).

The authoritative reference and input builder live on the scoring server;
editing this copy changes nothing except your own understanding.
"""

import jax, jax.numpy as jnp
import numpy as np

MAX_SEQ = 32768
DIM_HEAD = 128


def _init_weight(n_pos, dim):
    # identical math to the torch _init_weight: sin features in first half, cos in second half
    pos = np.arange(n_pos, dtype=np.float64)[:, None]
    j = np.arange(dim, dtype=np.int64)[None, :]
    position_enc = pos / np.power(10000.0, 2 * (j // 2) / dim)
    sentinel = dim // 2 if dim % 2 == 0 else dim // 2 + 1
    out = np.zeros((n_pos, dim), dtype=np.float32)
    out[:, 0:sentinel] = np.sin(position_enc[:, 0::2]).astype(np.float32)
    out[:, sentinel:] = np.cos(position_enc[:, 1::2]).astype(np.float32)
    return jnp.asarray(out)


def setup_inputs() -> dict:
    weight = _init_weight(MAX_SEQ, DIM_HEAD)
    return {"weight": weight, "seq_len": 32768, "past_key_values_length": 0}


def reference(weight, seq_len, past_key_values_length):
    static_len = weight.shape[0]
    base = jnp.arange(static_len, dtype=jnp.int32)
    positions = (
        jnp.asarray(past_key_values_length, dtype=jnp.int32)
        + base
        + (jnp.asarray(seq_len, dtype=jnp.int32) - static_len)
    )
    # nn.Embedding forward == row gather from the table
    return jnp.take(weight, positions, axis=0)

if __name__ == "__main__":
    import jax
    _d = setup_inputs()
    print(jax.jit(kernel)(*tuple(_d.values())))

</pallas_src>

<mosaic_0001>
#map = affine_map<(d0, d1) -> (0, 0)>
module attributes {stable_mosaic.version = 14 : i64} {
  func.func @_sc_gather(%arg0: i32, %arg1: i32, %arg2: memref<32768x128xf32, #tpu.memory_space<hbm>>, %arg3: memref<256x128xi32, #tpu.memory_space<hbm>>, %arg4: memref<32768x128xf32, #tpu.memory_space<hbm>>, %arg5: memref<8x128xi32, #tpu.memory_space<vmem>>, %arg6: memref<3x256x128xf32, #tpu.memory_space<vmem>>, %arg7: memref<!tpu.dma_semaphore, #tpu.memory_space<semaphore_mem>>, %arg8: memref<!tpu.dma_semaphore, #tpu.memory_space<semaphore_mem>>, %arg9: memref<!tpu.dma_semaphore, #tpu.memory_space<semaphore_mem>>) attributes {dimension_semantics = [#tpu.dimension_semantics<core_parallel>, #tpu.dimension_semantics<subcore_parallel>], iteration_bounds = array<i64: 2, 16>, scalar_prefetch = 0 : i64, scratch_operands = 5 : i64, tpu.core_type = #tpu.core_type<sc_vector_subcore>, window_params = [{transform_indices = #map}, {transform_indices = #map}, {transform_indices = #map}]} {
    %mul3A = arith.constant 2 : i32
    %mul3A_0 = arith.muli %arg1, %mul3A : i32
    %add3A = arith.addi %mul3A_0, %arg0 : i32
    %mul3A_1 = arith.constant 1024 : i32
    %mul3A_2 = arith.muli %add3A, %mul3A_1 : i32
    %mul3A_3 = arith.constant 8 : i32
    %mul3A_4 = arith.muli %add3A, %mul3A_3 : i32
    %dma_start3A = arith.constant 0 : i32
    %dma_start3A_5 = tpu.memref_slice %arg3[%mul3A_4, %dma_start3A] : memref<256x128xi32, #tpu.memory_space<hbm>> -> memref<8x128xi32, #tpu.memory_space<hbm>>
    %dma_start3A_6 = arith.constant 0 : i32
    %dma_start3A_7 = tpu.memref_slice %arg3[%mul3A_4, %dma_start3A_6] : memref<256x128xi32, #tpu.memory_space<hbm>> -> memref<8x128xi32, #tpu.memory_space<hbm>>
    tpu.enqueue_dma source(%dma_start3A_7 : memref<8x128xi32, #tpu.memory_space<hbm>>) target(%arg5 : memref<8x128xi32, #tpu.memory_space<vmem>>) target_semaphore(%arg7 : memref<!tpu.dma_semaphore, #tpu.memory_space<semaphore_mem>>)
    %dma_wait3A = arith.constant 0 : i32
    %dma_wait3A_8 = tpu.memref_slice %arg3[%mul3A_4, %dma_wait3A] : memref<256x128xi32, #tpu.memory_space<hbm>> -> memref<8x128xi32, #tpu.memory_space<hbm>>
    %dma_wait3A_9 = arith.constant 0 : i32
    %dma_wait3A_10 = tpu.memref_slice %arg3[%mul3A_4, %dma_wait3A_9] : memref<256x128xi32, #tpu.memory_space<hbm>> -> memref<8x128xi32, #tpu.memory_space<hbm>>
    tpu.wait_dma2 semaphore(%arg7 : memref<!tpu.dma_semaphore, #tpu.memory_space<semaphore_mem>>) src(%dma_wait3A_10 : memref<8x128xi32, #tpu.memory_space<hbm>>) dst(%arg5 : memref<8x128xi32, #tpu.memory_space<vmem>>)
    %dma_start3A_11 = arith.constant 0 : i32
    %dma_start3A_12 = arith.constant 0 : i32
    %dma_start3A_13 = arith.constant 0 : i32
    %dma_start3A_14 = arith.constant 0 : i32
    %dma_start3A_15 = tpu.memref_slice %arg6[%dma_start3A_12, %dma_start3A_13, %dma_start3A_14] : memref<3x256x128xf32, #tpu.memory_space<vmem>> -> memref<1x128x128xf32, #tpu.memory_space<vmem>>
    %dma_start3A_16 = tpu.memref_squeeze %dma_start3A_15 : memref<1x128x128xf32, #tpu.memory_space<vmem>> -> memref<128x128xf32, #tpu.memory_space<vmem>>
    %dma_start3A_17 = arith.constant 0 : i32
    %dma_start3A_18 = tpu.memref_slice %arg5[%dma_start3A_11, %dma_start3A_17] : memref<8x128xi32, #tpu.memory_space<vmem>> -> memref<1x128xi32, #tpu.memory_space<vmem>>
    %dma_start3A_19 = tpu.memref_squeeze %dma_start3A_18 : memref<1x128xi32, #tpu.memory_space<vmem>> -> memref<128xi32, #tpu.memory_space<vmem>>
    %dma_start3A_20 = arith.constant 0 : i32
    %dma_start3A_21 = arith.constant 0 : i32
    %dma_start3A_22 = tpu.memref_slice %arg2[%dma_start3A_20, %dma_start3A_21] : memref<32768x128xf32, #tpu.memory_space<hbm>> -> memref<32768x128xf32, #tpu.memory_space<hbm>>
    tpu.enqueue_indirect_dma source(%dma_start3A_22 : memref<32768x128xf32, #tpu.memory_space<hbm>>) target(%dma_start3A_16 : memref<128x128xf32, #tpu.memory_space<vmem>>) offsets(%dma_start3A_19 : memref<128xi32, #tpu.memory_space<vmem>>) semaphore(%arg8 : memref<!tpu.dma_semaphore, #tpu.memory_space<semaphore_mem>>)
    %dma_start3A_23 = arith.constant 1 : i32
    %dma_start3A_24 = arith.constant 0 : i32
    %dma_start3A_25 = arith.constant 128 : i32
    %dma_start3A_26 = arith.constant 0 : i32
    %dma_start3A_27 = tpu.memref_slice %arg6[%dma_start3A_24, %dma_start3A_25, %dma_start3A_26] : memref<3x256x128xf32, #tpu.memory_space<vmem>> -> memref<1x128x128xf32, #tpu.memory_space<vmem>>
    %dma_start3A_28 = tpu.memref_squeeze %dma_start3A_27 : memref<1x128x128xf32, #tpu.memory_space<vmem>> -> memref<128x128xf32, #tpu.memory_space<vmem>>
    %dma_start3A_29 = arith.constant 0 : i32
    %dma_start3A_30 = tpu.memref_slice %arg5[%dma_start3A_23, %dma_start3A_29] : memref<8x128xi32, #tpu.memory_space<vmem>> -> memref<1x128xi32, #tpu.memory_space<vmem>>
    %dma_start3A_31 = tpu.memref_squeeze %dma_start3A_30 : memref<1x128xi32, #tpu.memory_space<vmem>> -> memref<128xi32, #tpu.memory_space<vmem>>
    %dma_start3A_32 = arith.constant 0 : i32
    %dma_start3A_33 = arith.constant 0 : i32
    %dma_start3A_34 = tpu.memref_slice %arg2[%dma_start3A_32, %dma_start3A_33] : memref<32768x128xf32, #tpu.memory_space<hbm>> -> memref<32768x128xf32, #tpu.memory_space<hbm>>
    tpu.enqueue_indirect_dma source(%dma_start3A_34 : memref<32768x128xf32, #tpu.memory_space<hbm>>) target(%dma_start3A_28 : memref<128x128xf32, #tpu.memory_space<vmem>>) offsets(%dma_start3A_31 : memref<128xi32, #tpu.memory_space<vmem>>) semaphore(%arg8 : memref<!tpu.dma_semaphore, #tpu.memory_space<semaphore_mem>>)
    %dma_start3A_35 = arith.constant 2 : i32
    %dma_start3A_36 = arith.constant 1 : i32
    %dma_start3A_37 = arith.constant 0 : i32
    %dma_start3A_38 = arith.constant 0 : i32
    %dma_start3A_39 = tpu.memref_slice %arg6[%dma_start3A_36, %dma_start3A_37, %dma_start3A_38] : memref<3x256x128xf32, #tpu.memory_space<vmem>> -> memref<1x128x128xf32, #tpu.memory_space<vmem>>
    %dma_start3A_40 = tpu.memref_squeeze %dma_start3A_39 : memref<1x128x128xf32, #tpu.memory_space<vmem>> -> memref<128x128xf32, #tpu.memory_space<vmem>>
    %dma_start3A_41 = arith.constant 0 : i32
    %dma_start3A_42 = tpu.memref_slice %arg5[%dma_start3A_35, %dma_start3A_41] : memref<8x128xi32, #tpu.memory_space<vmem>> -> memref<1x128xi32, #tpu.memory_space<vmem>>
    %dma_start3A_43 = tpu.memref_squeeze %dma_start3A_42 : memref<1x128xi32, #tpu.memory_space<vmem>> -> memref<128xi32, #tpu.memory_space<vmem>>
    %dma_start3A_44 = arith.constant 0 : i32
    %dma_start3A_45 = arith.constant 0 : i32
    %dma_start3A_46 = tpu.memref_slice %arg2[%dma_start3A_44, %dma_start3A_45] : memref<32768x128xf32, #tpu.memory_space<hbm>> -> memref<32768x128xf32, #tpu.memory_space<hbm>>
    tpu.enqueue_indirect_dma source(%dma_start3A_46 : memref<32768x128xf32, #tpu.memory_space<hbm>>) target(%dma_start3A_40 : memref<128x128xf32, #tpu.memory_space<vmem>>) offsets(%dma_start3A_43 : memref<128xi32, #tpu.memory_space<vmem>>) semaphore(%arg8 : memref<!tpu.dma_semaphore, #tpu.memory_space<semaphore_mem>>)
    %dma_start3A_47 = arith.constant 3 : i32
    %dma_start3A_48 = arith.constant 1 : i32
    %dma_start3A_49 = arith.constant 128 : i32
    %dma_start3A_50 = arith.constant 0 : i32
    %dma_start3A_51 = tpu.memref_slice %arg6[%dma_start3A_48, %dma_start3A_49, %dma_start3A_50] : memref<3x256x128xf32, #tpu.memory_space<vmem>> -> memref<1x128x128xf32, #tpu.memory_space<vmem>>
    %dma_start3A_52 = tpu.memref_squeeze %dma_start3A_51 : memref<1x128x128xf32, #tpu.memory_space<vmem>> -> memref<128x128xf32, #tpu.memory_space<vmem>>
    %dma_start3A_53 = arith.constant 0 : i32
    %dma_start3A_54 = tpu.memref_slice %arg5[%dma_start3A_47, %dma_start3A_53] : memref<8x128xi32, #tpu.memory_space<vmem>> -> memref<1x128xi32, #tpu.memory_space<vmem>>
    %dma_start3A_55 = tpu.memref_squeeze %dma_start3A_54 : memref<1x128xi32, #tpu.memory_space<vmem>> -> memref<128xi32, #tpu.memory_space<vmem>>
    %dma_start3A_56 = arith.constant 0 : i32
    %dma_start3A_57 = arith.constant 0 : i32
    %dma_start3A_58 = tpu.memref_slice %arg2[%dma_start3A_56, %dma_start3A_57] : memref<32768x128xf32, #tpu.memory_space<hbm>> -> memref<32768x128xf32, #tpu.memory_space<hbm>>
    tpu.enqueue_indirect_dma source(%dma_start3A_58 : memref<32768x128xf32, #tpu.memory_space<hbm>>) target(%dma_start3A_52 : memref<128x128xf32, #tpu.memory_space<vmem>>) offsets(%dma_start3A_55 : memref<128xi32, #tpu.memory_space<vmem>>) semaphore(%arg8 : memref<!tpu.dma_semaphore, #tpu.memory_space<semaphore_mem>>)
    %dma_wait3A_59 = arith.constant 0 : i32
    %dma_wait3A_60 = arith.constant 0 : i32
    %dma_wait3A_61 = arith.constant 0 : i32
    %dma_wait3A_62 = arith.constant 0 : i32
    %dma_wait3A_63 = tpu.memref_slice %arg6[%dma_wait3A_60, %dma_wait3A_61, %dma_wait3A_62] : memref<3x256x128xf32, #tpu.memory_space<vmem>> -> memref<1x128x128xf32, #tpu.memory_space<vmem>>
    %dma_wait3A_64 = tpu.memref_squeeze %dma_wait3A_63 : memref<1x128x128xf32, #tpu.memory_space<vmem>> -> memref<128x128xf32, #tpu.memory_space<vmem>>
    %dma_wait3A_65 = arith.constant 0 : i32
    %dma_wait3A_66 = tpu.memref_slice %arg5[%dma_wait3A_59, %dma_wait3A_65] : memref<8x128xi32, #tpu.memory_space<vmem>> -> memref<1x128xi32, #tpu.memory_space<vmem>>
    %dma_wait3A_67 = tpu.memref_squeeze %dma_wait3A_66 : memref<1x128xi32, #tpu.memory_space<vmem>> -> memref<128xi32, #tpu.memory_space<vmem>>
    %dma_wait3A_68 = arith.constant 0 : i32
    %dma_wait3A_69 = arith.constant 0 : i32
    %dma_wait3A_70 = tpu.memref_slice %arg2[%dma_wait3A_68, %dma_wait3A_69] : memref<32768x128xf32, #tpu.memory_space<hbm>> -> memref<32768x128xf32, #tpu.memory_space<hbm>>
    tpu.wait_indirect_dma semaphore(%arg8 : memref<!tpu.dma_semaphore, #tpu.memory_space<semaphore_mem>>) src(%dma_wait3A_70 : memref<32768x128xf32, #tpu.memory_space<hbm>>) dst(%dma_wait3A_64 : memref<128x128xf32, #tpu.memory_space<vmem>>)
    %dma_wait3A_71 = arith.constant 1 : i32
    %dma_wait3A_72 = arith.constant 0 : i32
    %dma_wait3A_73 = arith.constant 128 : i32
    %dma_wait3A_74 = arith.constant 0 : i32
    %dma_wait3A_75 = tpu.memref_slice %arg6[%dma_wait3A_72, %dma_wait3A_73, %dma_wait3A_74] : memref<3x256x128xf32, #tpu.memory_space<vmem>> -> memref<1x128x128xf32, #tpu.memory_space<vmem>>
    %dma_wait3A_76 = tpu.memref_squeeze %dma_wait3A_75 : memref<1x128x128xf32, #tpu.memory_space<vmem>> -> memref<128x128xf32, #tpu.memory_space<vmem>>
    %dma_wait3A_77 = arith.constant 0 : i32
    %dma_wait3A_78 = tpu.memref_slice %arg5[%dma_wait3A_71, %dma_wait3A_77] : memref<8x128xi32, #tpu.memory_space<vmem>> -> memref<1x128xi32, #tpu.memory_space<vmem>>
    %dma_wait3A_79 = tpu.memref_squeeze %dma_wait3A_78 : memref<1x128xi32, #tpu.memory_space<vmem>> -> memref<128xi32, #tpu.memory_space<vmem>>
    %dma_wait3A_80 = arith.constant 0 : i32
    %dma_wait3A_81 = arith.constant 0 : i32
    %dma_wait3A_82 = tpu.memref_slice %arg2[%dma_wait3A_80, %dma_wait3A_81] : memref<32768x128xf32, #tpu.memory_space<hbm>> -> memref<32768x128xf32, #tpu.memory_space<hbm>>
    tpu.wait_indirect_dma semaphore(%arg8 : memref<!tpu.dma_semaphore, #tpu.memory_space<semaphore_mem>>) src(%dma_wait3A_82 : memref<32768x128xf32, #tpu.memory_space<hbm>>) dst(%dma_wait3A_76 : memref<128x128xf32, #tpu.memory_space<vmem>>)
    %add3A_83 = arith.constant 0 : i32
    %add3A_84 = arith.addi %mul3A_2, %add3A_83 : i32
    %dma_start3A_85 = arith.constant 0 : i32
    %dma_start3A_86 = arith.constant 0 : i32
    %dma_start3A_87 = arith.constant 0 : i32
    %dma_start3A_88 = tpu.memref_slice %arg6[%dma_start3A_85, %dma_start3A_86, %dma_start3A_87] : memref<3x256x128xf32, #tpu.memory_space<vmem>> -> memref<1x256x128xf32, #tpu.memory_space<vmem>>
    %dma_start3A_89 = tpu.memref_squeeze %dma_start3A_88 : memref<1x256x128xf32, #tpu.memory_space<vmem>> -> memref<256x128xf32, #tpu.memory_space<vmem>>
    %dma_start3A_90 = arith.constant 0 : i32
    %dma_start3A_91 = tpu.memref_slice %arg4[%add3A_84, %dma_start3A_90] : memref<32768x128xf32, #tpu.memory_space<hbm>> -> memref<256x128xf32, #tpu.memory_space<hbm>>
    %dma_start3A_92 = arith.constant 0 : i32
    %dma_start3A_93 = tpu.memref_slice %arg4[%add3A_84, %dma_start3A_92] : memref<32768x128xf32, #tpu.memory_space<hbm>> -> memref<256x128xf32, #tpu.memory_space<hbm>>
    %dma_start3A_94 = arith.constant 0 : i32
    %dma_start3A_95 = arith.constant 0 : i32
    %dma_start3A_96 = tpu.memref_slice %arg6[%dma_start3A_85, %dma_start3A_94, %dma_start3A_95] : memref<3x256x128xf32, #tpu.memory_space<vmem>> -> memref<1x256x128xf32, #tpu.memory_space<vmem>>
    %dma_start3A_97 = tpu.memref_squeeze %dma_start3A_96 : memref<1x256x128xf32, #tpu.memory_space<vmem>> -> memref<256x128xf32, #tpu.memory_space<vmem>>
    tpu.enqueue_dma source(%dma_start3A_97 : memref<256x128xf32, #tpu.memory_space<vmem>>) target(%dma_start3A_93 : memref<256x128xf32, #tpu.memory_space<hbm>>) target_semaphore(%arg9 : memref<!tpu.dma_semaphore, #tpu.memory_space<semaphore_mem>>)
    %dma_start3A_98 = arith.constant 4 : i32
    %dma_start3A_99 = arith.constant 2 : i32
    %dma_start3A_100 = arith.constant 0 : i32
    %dma_start3A_101 = arith.constant 0 : i32
    %dma_start3A_102 = tpu.memref_slice %arg6[%dma_start3A_99, %dma_start3A_100, %dma_start3A_101] : memref<3x256x128xf32, #tpu.memory_space<vmem>> -> memref<1x128x128xf32, #tpu.memory_space<vmem>>
    %dma_start3A_103 = tpu.memref_squeeze %dma_start3A_102 : memref<1x128x128xf32, #tpu.memory_space<vmem>> -> memref<128x128xf32, #tpu.memory_space<vmem>>
    %dma_start3A_104 = arith.constant 0 : i32
    %dma_start3A_105 = tpu.memref_slice %arg5[%dma_start3A_98, %dma_start3A_104] : memref<8x128xi32, #tpu.memory_space<vmem>> -> memref<1x128xi32, #tpu.memory_space<vmem>>
    %dma_start3A_106 = tpu.memref_squeeze %dma_start3A_105 : memref<1x128xi32, #tpu.memory_space<vmem>> -> memref<128xi32, #tpu.memory_space<vmem>>
    %dma_start3A_107 = arith.constant 0 : i32
    %dma_start3A_108 = arith.constant 0 : i32
    %dma_start3A_109 = tpu.memref_slice %arg2[%dma_start3A_107, %dma_start3A_108] : memref<32768x128xf32, #tpu.memory_space<hbm>> -> memref<32768x128xf32, #tpu.memory_space<hbm>>
    tpu.enqueue_indirect_dma source(%dma_start3A_109 : memref<32768x128xf32, #tpu.memory_space<hbm>>) target(%dma_start3A_103 : memref<128x128xf32, #tpu.memory_space<vmem>>) offsets(%dma_start3A_106 : memref<128xi32, #tpu.memory_space<vmem>>) semaphore(%arg8 : memref<!tpu.dma_semaphore, #tpu.memory_space<semaphore_mem>>)
    %dma_start3A_110 = arith.constant 5 : i32
    %dma_start3A_111 = arith.constant 2 : i32
    %dma_start3A_112 = arith.constant 128 : i32
    %dma_start3A_113 = arith.constant 0 : i32
    %dma_start3A_114 = tpu.memref_slice %arg6[%dma_start3A_111, %dma_start3A_112, %dma_start3A_113] : memref<3x256x128xf32, #tpu.memory_space<vmem>> -> memref<1x128x128xf32, #tpu.memory_space<vmem>>
    %dma_start3A_115 = tpu.memref_squeeze %dma_start3A_114 : memref<1x128x128xf32, #tpu.memory_space<vmem>> -> memref<128x128xf32, #tpu.memory_space<vmem>>
    %dma_start3A_116 = arith.constant 0 : i32
    %dma_start3A_117 = tpu.memref_slice %arg5[%dma_start3A_110, %dma_start3A_116] : memref<8x128xi32, #tpu.memory_space<vmem>> -> memref<1x128xi32, #tpu.memory_space<vmem>>
    %dma_start3A_118 = tpu.memref_squeeze %dma_start3A_117 : memref<1x128xi32, #tpu.memory_space<vmem>> -> memref<128xi32, #tpu.memory_space<vmem>>
    %dma_start3A_119 = arith.constant 0 : i32
    %dma_start3A_120 = arith.constant 0 : i32
    %dma_start3A_121 = tpu.memref_slice %arg2[%dma_start3A_119, %dma_start3A_120] : memref<32768x128xf32, #tpu.memory_space<hbm>> -> memref<32768x128xf32, #tpu.memory_space<hbm>>
    tpu.enqueue_indirect_dma source(%dma_start3A_121 : memref<32768x128xf32, #tpu.memory_space<hbm>>) target(%dma_start3A_115 : memref<128x128xf32, #tpu.memory_space<vmem>>) offsets(%dma_start3A_118 : memref<128xi32, #tpu.memory_space<vmem>>) semaphore(%arg8 : memref<!tpu.dma_semaphore, #tpu.memory_space<semaphore_mem>>)
    %dma_wait3A_122 = arith.constant 2 : i32
    %dma_wait3A_123 = arith.constant 1 : i32
    %dma_wait3A_124 = arith.constant 0 : i32
    %dma_wait3A_125 = arith.constant 0 : i32
    %dma_wait3A_126 = tpu.memref_slice %arg6[%dma_wait3A_123, %dma_wait3A_124, %dma_wait3A_125] : memref<3x256x128xf32, #tpu.memory_space<vmem>> -> memref<1x128x128xf32, #tpu.memory_space<vmem>>
    %dma_wait3A_127 = tpu.memref_squeeze %dma_wait3A_126 : memref<1x128x128xf32, #tpu.memory_space<vmem>> -> memref<128x128xf32, #tpu.memory_space<vmem>>
    %dma_wait3A_128 = arith.constant 0 : i32
    %dma_wait3A_129 = tpu.memref_slice %arg5[%dma_wait3A_122, %dma_wait3A_128] : memref<8x128xi32, #tpu.memory_space<vmem>> -> memref<1x128xi32, #tpu.memory_space<vmem>>
    %dma_wait3A_130 = tpu.memref_squeeze %dma_wait3A_129 : memref<1x128xi32, #tpu.memory_space<vmem>> -> memref<128xi32, #tpu.memory_space<vmem>>
    %dma_wait3A_131 = arith.constant 0 : i32
    %dma_wait3A_132 = arith.constant 0 : i32
    %dma_wait3A_133 = tpu.memref_slice %arg2[%dma_wait3A_131, %dma_wait3A_132] : memref<32768x128xf32, #tpu.memory_space<hbm>> -> memref<32768x128xf32, #tpu.memory_space<hbm>>
    tpu.wait_indirect_dma semaphore(%arg8 : memref<!tpu.dma_semaphore, #tpu.memory_space<semaphore_mem>>) src(%dma_wait3A_133 : memref<32768x128xf32, #tpu.memory_space<hbm>>) dst(%dma_wait3A_127 : memref<128x128xf32, #tpu.memory_space<vmem>>)
    %dma_wait3A_134 = arith.constant 3 : i32
    %dma_wait3A_135 = arith.constant 1 : i32
    %dma_wait3A_136 = arith.constant 128 : i32
    %dma_wait3A_137 = arith.constant 0 : i32
    %dma_wait3A_138 = tpu.memref_slice %arg6[%dma_wait3A_135, %dma_wait3A_136, %dma_wait3A_137] : memref<3x256x128xf32, #tpu.memory_space<vmem>> -> memref<1x128x128xf32, #tpu.memory_space<vmem>>
    %dma_wait3A_139 = tpu.memref_squeeze %dma_wait3A_138 : memref<1x128x128xf32, #tpu.memory_space<vmem>> -> memref<128x128xf32, #tpu.memory_space<vmem>>
    %dma_wait3A_140 = arith.constant 0 : i32
    %dma_wait3A_141 = tpu.memref_slice %arg5[%dma_wait3A_134, %dma_wait3A_140] : memref<8x128xi32, #tpu.memory_space<vmem>> -> memref<1x128xi32, #tpu.memory_space<vmem>>
    %dma_wait3A_142 = tpu.memref_squeeze %dma_wait3A_141 : memref<1x128xi32, #tpu.memory_space<vmem>> -> memref<128xi32, #tpu.memory_space<vmem>>
    %dma_wait3A_143 = arith.constant 0 : i32
    %dma_wait3A_144 = arith.constant 0 : i32
    %dma_wait3A_145 = tpu.memref_slice %arg2[%dma_wait3A_143, %dma_wait3A_144] : memref<32768x128xf32, #tpu.memory_space<hbm>> -> memref<32768x128xf32, #tpu.memory_space<hbm>>
    tpu.wait_indirect_dma semaphore(%arg8 : memref<!tpu.dma_semaphore, #tpu.memory_space<semaphore_mem>>) src(%dma_wait3A_145 : memref<32768x128xf32, #tpu.memory_space<hbm>>) dst(%dma_wait3A_139 : memref<128x128xf32, #tpu.memory_space<vmem>>)
    %add3A_146 = arith.constant 256 : i32
    %add3A_147 = arith.addi %mul3A_2, %add3A_146 : i32
    %dma_start3A_148 = arith.constant 1 : i32
    %dma_start3A_149 = arith.constant 0 : i32
    %dma_start3A_150 = arith.constant 0 : i32
    %dma_start3A_151 = tpu.memref_slice %arg6[%dma_start3A_148, %dma_start3A_149, %dma_start3A_150] : memref<3x256x128xf32, #tpu.memory_space<vmem>> -> memref<1x256x128xf32, #tpu.memory_space<vmem>>
    %dma_start3A_152 = tpu.memref_squeeze %dma_start3A_151 : memref<1x256x128xf32, #tpu.memory_space<vmem>> -> memref<256x128xf32, #tpu.memory_space<vmem>>
    %dma_start3A_153 = arith.constant 0 : i32
    %dma_start3A_154 = tpu.memref_slice %arg4[%add3A_147, %dma_start3A_153] : memref<32768x128xf32, #tpu.memory_space<hbm>> -> memref<256x128xf32, #tpu.memory_space<hbm>>
    %dma_start3A_155 = arith.constant 0 : i32
    %dma_start3A_156 = tpu.memref_slice %arg4[%add3A_147, %dma_start3A_155] : memref<32768x128xf32, #tpu.memory_space<hbm>> -> memref<256x128xf32, #tpu.memory_space<hbm>>
    %dma_start3A_157 = arith.constant 0 : i32
    %dma_start3A_158 = arith.constant 0 : i32
    %dma_start3A_159 = tpu.memref_slice %arg6[%dma_start3A_148, %dma_start3A_157, %dma_start3A_158] : memref<3x256x128xf32, #tpu.memory_space<vmem>> -> memref<1x256x128xf32, #tpu.memory_space<vmem>>
    %dma_start3A_160 = tpu.memref_squeeze %dma_start3A_159 : memref<1x256x128xf32, #tpu.memory_space<vmem>> -> memref<256x128xf32, #tpu.memory_space<vmem>>
    tpu.enqueue_dma source(%dma_start3A_160 : memref<256x128xf32, #tpu.memory_space<vmem>>) target(%dma_start3A_156 : memref<256x128xf32, #tpu.memory_space<hbm>>) target_semaphore(%arg9 : memref<!tpu.dma_semaphore, #tpu.memory_space<semaphore_mem>>)
    %dma_wait3A_161 = arith.constant 0 : i32
    %dma_wait3A_162 = arith.constant 0 : i32
    %dma_wait3A_163 = arith.constant 0 : i32
    %dma_wait3A_164 = tpu.memref_slice %arg6[%dma_wait3A_161, %dma_wait3A_162, %dma_wait3A_163] : memref<3x256x128xf32, #tpu.memory_space<vmem>> -> memref<1x256x128xf32, #tpu.memory_space<vmem>>
    %dma_wait3A_165 = tpu.memref_squeeze %dma_wait3A_164 : memref<1x256x128xf32, #tpu.memory_space<vmem>> -> memref<256x128xf32, #tpu.memory_space<vmem>>
    %dma_wait3A_166 = arith.constant 0 : i32
    %dma_wait3A_167 = tpu.memref_slice %arg4[%add3A_84, %dma_wait3A_166] : memref<32768x128xf32, #tpu.memory_space<hbm>> -> memref<256x128xf32, #tpu.memory_space<hbm>>
    %dma_wait3A_168 = arith.constant 0 : i32
    %dma_wait3A_169 = tpu.memref_slice %arg4[%add3A_84, %dma_wait3A_168] : memref<32768x128xf32, #tpu.memory_space<hbm>> -> memref<256x128xf32, #tpu.memory_space<hbm>>
    %dma_wait3A_170 = arith.constant 0 : i32
    %dma_wait3A_171 = arith.constant 0 : i32
    %dma_wait3A_172 = tpu.memref_slice %arg6[%dma_wait3A_161, %dma_wait3A_170, %dma_wait3A_171] : memref<3x256x128xf32, #tpu.memory_space<vmem>> -> memref<1x256x128xf32, #tpu.memory_space<vmem>>
    %dma_wait3A_173 = tpu.memref_squeeze %dma_wait3A_172 : memref<1x256x128xf32, #tpu.memory_space<vmem>> -> memref<256x128xf32, #tpu.memory_space<vmem>>
    tpu.wait_dma2 semaphore(%arg9 : memref<!tpu.dma_semaphore, #tpu.memory_space<semaphore_mem>>) src(%dma_wait3A_173 : memref<256x128xf32, #tpu.memory_space<vmem>>) dst(%dma_wait3A_169 : memref<256x128xf32, #tpu.memory_space<hbm>>)
    %dma_start3A_174 = arith.constant 6 : i32
    %dma_start3A_175 = arith.constant 0 : i32
    %dma_start3A_176 = arith.constant 0 : i32
    %dma_start3A_177 = arith.constant 0 : i32
    %dma_start3A_178 = tpu.memref_slice %arg6[%dma_start3A_175, %dma_start3A_176, %dma_start3A_177] : memref<3x256x128xf32, #tpu.memory_space<vmem>> -> memref<1x128x128xf32, #tpu.memory_space<vmem>>
    %dma_start3A_179 = tpu.memref_squeeze %dma_start3A_178 : memref<1x128x128xf32, #tpu.memory_space<vmem>> -> memref<128x128xf32, #tpu.memory_space<vmem>>
    %dma_start3A_180 = arith.constant 0 : i32
    %dma_start3A_181 = tpu.memref_slice %arg5[%dma_start3A_174, %dma_start3A_180] : memref<8x128xi32, #tpu.memory_space<vmem>> -> memref<1x128xi32, #tpu.memory_space<vmem>>
    %dma_start3A_182 = tpu.memref_squeeze %dma_start3A_181 : memref<1x128xi32, #tpu.memory_space<vmem>> -> memref<128xi32, #tpu.memory_space<vmem>>
    %dma_start3A_183 = arith.constant 0 : i32
    %dma_start3A_184 = arith.constant 0 : i32
    %dma_start3A_185 = tpu.memref_slice %arg2[%dma_start3A_183, %dma_start3A_184] : memref<32768x128xf32, #tpu.memory_space<hbm>> -> memref<32768x128xf32, #tpu.memory_space<hbm>>
    tpu.enqueue_indirect_dma source(%dma_start3A_185 : memref<32768x128xf32, #tpu.memory_space<hbm>>) target(%dma_start3A_179 : memref<128x128xf32, #tpu.memory_space<vmem>>) offsets(%dma_start3A_182 : memref<128xi32, #tpu.memory_space<vmem>>) semaphore(%arg8 : memref<!tpu.dma_semaphore, #tpu.memory_space<semaphore_mem>>)
    %dma_start3A_186 = arith.constant 7 : i32
    %dma_start3A_187 = arith.constant 0 : i32
    %dma_start3A_188 = arith.constant 128 : i32
    %dma_start3A_189 = arith.constant 0 : i32
    %dma_start3A_190 = tpu.memref_slice %arg6[%dma_start3A_187, %dma_start3A_188, %dma_start3A_189] : memref<3x256x128xf32, #tpu.memory_space<vmem>> -> memref<1x128x128xf32, #tpu.memory_space<vmem>>
    %dma_start3A_191 = tpu.memref_squeeze %dma_start3A_190 : memref<1x128x128xf32, #tpu.memory_space<vmem>> -> memref<128x128xf32, #tpu.memory_space<vmem>>
    %dma_start3A_192 = arith.constant 0 : i32
    %dma_start3A_193 = tpu.memref_slice %arg5[%dma_start3A_186, %dma_start3A_192] : memref<8x128xi32, #tpu.memory_space<vmem>> -> memref<1x128xi32, #tpu.memory_space<vmem>>
    %dma_start3A_194 = tpu.memref_squeeze %dma_start3A_193 : memref<1x128xi32, #tpu.memory_space<vmem>> -> memref<128xi32, #tpu.memory_space<vmem>>
    %dma_start3A_195 = arith.constant 0 : i32
    %dma_start3A_196 = arith.constant 0 : i32
    %dma_start3A_197 = tpu.memref_slice %arg2[%dma_start3A_195, %dma_start3A_196] : memref<32768x128xf32, #tpu.memory_space<hbm>> -> memref<32768x128xf32, #tpu.memory_space<hbm>>
    tpu.enqueue_indirect_dma source(%dma_start3A_197 : memref<32768x128xf32, #tpu.memory_space<hbm>>) target(%dma_start3A_191 : memref<128x128xf32, #tpu.memory_space<vmem>>) offsets(%dma_start3A_194 : memref<128xi32, #tpu.memory_space<vmem>>) semaphore(%arg8 : memref<!tpu.dma_semaphore, #tpu.memory_space<semaphore_mem>>)
    %dma_wait3A_198 = arith.constant 4 : i32
    %dma_wait3A_199 = arith.constant 2 : i32
    %dma_wait3A_200 = arith.constant 0 : i32
    %dma_wait3A_201 = arith.constant 0 : i32
    %dma_wait3A_202 = tpu.memref_slice %arg6[%dma_wait3A_199, %dma_wait3A_200, %dma_wait3A_201] : memref<3x256x128xf32, #tpu.memory_space<vmem>> -> memref<1x128x128xf32, #tpu.memory_space<vmem>>
    %dma_wait3A_203 = tpu.memref_squeeze %dma_wait3A_202 : memref<1x128x128xf32, #tpu.memory_space<vmem>> -> memref<128x128xf32, #tpu.memory_space<vmem>>
    %dma_wait3A_204 = arith.constant 0 : i32
    %dma_wait3A_205 = tpu.memref_slice %arg5[%dma_wait3A_198, %dma_wait3A_204] : memref<8x128xi32, #tpu.memory_space<vmem>> -> memref<1x128xi32, #tpu.memory_space<vmem>>
    %dma_wait3A_206 = tpu.memref_squeeze %dma_wait3A_205 : memref<1x128xi32, #tpu.memory_space<vmem>> -> memref<128xi32, #tpu.memory_space<vmem>>
    %dma_wait3A_207 = arith.constant 0 : i32
    %dma_wait3A_208 = arith.constant 0 : i32
    %dma_wait3A_209 = tpu.memref_slice %arg2[%dma_wait3A_207, %dma_wait3A_208] : memref<32768x128xf32, #tpu.memory_space<hbm>> -> memref<32768x128xf32, #tpu.memory_space<hbm>>
    tpu.wait_indirect_dma semaphore(%arg8 : memref<!tpu.dma_semaphore, #tpu.memory_space<semaphore_mem>>) src(%dma_wait3A_209 : memref<32768x128xf32, #tpu.memory_space<hbm>>) dst(%dma_wait3A_203 : memref<128x128xf32, #tpu.memory_space<vmem>>)
    %dma_wait3A_210 = arith.constant 5 : i32
    %dma_wait3A_211 = arith.constant 2 : i32
    %dma_wait3A_212 = arith.constant 128 : i32
    %dma_wait3A_213 = arith.constant 0 : i32
    %dma_wait3A_214 = tpu.memref_slice %arg6[%dma_wait3A_211, %dma_wait3A_212, %dma_wait3A_213] : memref<3x256x128xf32, #tpu.memory_space<vmem>> -> memref<1x128x128xf32, #tpu.memory_space<vmem>>
    %dma_wait3A_215 = tpu.memref_squeeze %dma_wait3A_214 : memref<1x128x128xf32, #tpu.memory_space<vmem>> -> memref<128x128xf32, #tpu.memory_space<vmem>>
    %dma_wait3A_216 = arith.constant 0 : i32
    %dma_wait3A_217 = tpu.memref_slice %arg5[%dma_wait3A_210, %dma_wait3A_216] : memref<8x128xi32, #tpu.memory_space<vmem>> -> memref<1x128xi32, #tpu.memory_space<vmem>>
    %dma_wait3A_218 = tpu.memref_squeeze %dma_wait3A_217 : memref<1x128xi32, #tpu.memory_space<vmem>> -> memref<128xi32, #tpu.memory_space<vmem>>
    %dma_wait3A_219 = arith.constant 0 : i32
    %dma_wait3A_220 = arith.constant 0 : i32
    %dma_wait3A_221 = tpu.memref_slice %arg2[%dma_wait3A_219, %dma_wait3A_220] : memref<32768x128xf32, #tpu.memory_space<hbm>> -> memref<32768x128xf32, #tpu.memory_space<hbm>>
    tpu.wait_indirect_dma semaphore(%arg8 : memref<!tpu.dma_semaphore, #tpu.memory_space<semaphore_mem>>) src(%dma_wait3A_221 : memref<32768x128xf32, #tpu.memory_space<hbm>>) dst(%dma_wait3A_215 : memref<128x128xf32, #tpu.memory_space<vmem>>)
    %add3A_222 = arith.constant 512 : i32
    %add3A_223 = arith.addi %mul3A_2, %add3A_222 : i32
    %dma_start3A_224 = arith.constant 2 : i32
    %dma_start3A_225 = arith.constant 0 : i32
    %dma_start3A_226 = arith.constant 0 : i32
    %dma_start3A_227 = tpu.memref_slice %arg6[%dma_start3A_224, %dma_start3A_225, %dma_start3A_226] : memref<3x256x128xf32, #tpu.memory_space<vmem>> -> memref<1x256x128xf32, #tpu.memory_space<vmem>>
    %dma_start3A_228 = tpu.memref_squeeze %dma_start3A_227 : memref<1x256x128xf32, #tpu.memory_space<vmem>> -> memref<256x128xf32, #tpu.memory_space<vmem>>
    %dma_start3A_229 = arith.constant 0 : i32
    %dma_start3A_230 = tpu.memref_slice %arg4[%add3A_223, %dma_start3A_229] : memref<32768x128xf32, #tpu.memory_space<hbm>> -> memref<256x128xf32, #tpu.memory_space<hbm>>
    %dma_start3A_231 = arith.constant 0 : i32
    %dma_start3A_232 = tpu.memref_slice %arg4[%add3A_223, %dma_start3A_231] : memref<32768x128xf32, #tpu.memory_space<hbm>> -> memref<256x128xf32, #tpu.memory_space<hbm>>
    %dma_start3A_233 = arith.constant 0 : i32
    %dma_start3A_234 = arith.constant 0 : i32
    %dma_start3A_235 = tpu.memref_slice %arg6[%dma_start3A_224, %dma_start3A_233, %dma_start3A_234] : memref<3x256x128xf32, #tpu.memory_space<vmem>> -> memref<1x256x128xf32, #tpu.memory_space<vmem>>
    %dma_start3A_236 = tpu.memref_squeeze %dma_start3A_235 : memref<1x256x128xf32, #tpu.memory_space<vmem>> -> memref<256x128xf32, #tpu.memory_space<vmem>>
    tpu.enqueue_dma source(%dma_start3A_236 : memref<256x128xf32, #tpu.memory_space<vmem>>) target(%dma_start3A_232 : memref<256x128xf32, #tpu.memory_space<hbm>>) target_semaphore(%arg9 : memref<!tpu.dma_semaphore, #tpu.memory_space<semaphore_mem>>)
    %dma_wait3A_237 = arith.constant 6 : i32
    %dma_wait3A_238 = arith.constant 0 : i32
    %dma_wait3A_239 = arith.constant 0 : i32
    %dma_wait3A_240 = arith.constant 0 : i32
    %dma_wait3A_241 = tpu.memref_slice %arg6[%dma_wait3A_238, %dma_wait3A_239, %dma_wait3A_240] : memref<3x256x128xf32, #tpu.memory_space<vmem>> -> memref<1x128x128xf32, #tpu.memory_space<vmem>>
    %dma_wait3A_242 = tpu.memref_squeeze %dma_wait3A_241 : memref<1x128x128xf32, #tpu.memory_space<vmem>> -> memref<128x128xf32, #tpu.memory_space<vmem>>
    %dma_wait3A_243 = arith.constant 0 : i32
    %dma_wait3A_244 = tpu.memref_slice %arg5[%dma_wait3A_237, %dma_wait3A_243] : memref<8x128xi32, #tpu.memory_space<vmem>> -> memref<1x128xi32, #tpu.memory_space<vmem>>
    %dma_wait3A_245 = tpu.memref_squeeze %dma_wait3A_244 : memref<1x128xi32, #tpu.memory_space<vmem>> -> memref<128xi32, #tpu.memory_space<vmem>>
    %dma_wait3A_246 = arith.constant 0 : i32
    %dma_wait3A_247 = arith.constant 0 : i32
    %dma_wait3A_248 = tpu.memref_slice %arg2[%dma_wait3A_246, %dma_wait3A_247] : memref<32768x128xf32, #tpu.memory_space<hbm>> -> memref<32768x128xf32, #tpu.memory_space<hbm>>
    tpu.wait_indirect_dma semaphore(%arg8 : memref<!tpu.dma_semaphore, #tpu.memory_space<semaphore_mem>>) src(%dma_wait3A_248 : memref<32768x128xf32, #tpu.memory_space<hbm>>) dst(%dma_wait3A_242 : memref<128x128xf32, #tpu.memory_space<vmem>>)
    %dma_wait3A_249 = arith.constant 7 : i32
    %dma_wait3A_250 = arith.constant 0 : i32
    %dma_wait3A_251 = arith.constant 128 : i32
    %dma_wait3A_252 = arith.constant 0 : i32
    %dma_wait3A_253 = tpu.memref_slice %arg6[%dma_wait3A_250, %dma_wait3A_251, %dma_wait3A_252] : memref<3x256x128xf32, #tpu.memory_space<vmem>> -> memref<1x128x128xf32, #tpu.memory_space<vmem>>
    %dma_wait3A_254 = tpu.memref_squeeze %dma_wait3A_253 : memref<1x128x128xf32, #tpu.memory_space<vmem>> -> memref<128x128xf32, #tpu.memory_space<vmem>>
    %dma_wait3A_255 = arith.constant 0 : i32
    %dma_wait3A_256 = tpu.memref_slice %arg5[%dma_wait3A_249, %dma_wait3A_255] : memref<8x128xi32, #tpu.memory_space<vmem>> -> memref<1x128xi32, #tpu.memory_space<vmem>>
    %dma_wait3A_257 = tpu.memref_squeeze %dma_wait3A_256 : memref<1x128xi32, #tpu.memory_space<vmem>> -> memref<128xi32, #tpu.memory_space<vmem>>
    %dma_wait3A_258 = arith.constant 0 : i32
    %dma_wait3A_259 = arith.constant 0 : i32
    %dma_wait3A_260 = tpu.memref_slice %arg2[%dma_wait3A_258, %dma_wait3A_259] : memref<32768x128xf32, #tpu.memory_space<hbm>> -> memref<32768x128xf32, #tpu.memory_space<hbm>>
    tpu.wait_indirect_dma semaphore(%arg8 : memref<!tpu.dma_semaphore, #tpu.memory_space<semaphore_mem>>) src(%dma_wait3A_260 : memref<32768x128xf32, #tpu.memory_space<hbm>>) dst(%dma_wait3A_254 : memref<128x128xf32, #tpu.memory_space<vmem>>)
    %add3A_261 = arith.constant 768 : i32
    %add3A_262 = arith.addi %mul3A_2, %add3A_261 : i32
    %dma_start3A_263 = arith.constant 0 : i32
    %dma_start3A_264 = arith.constant 0 : i32
    %dma_start3A_265 = arith.constant 0 : i32
    %dma_start3A_266 = tpu.memref_slice %arg6[%dma_start3A_263, %dma_start3A_264, %dma_start3A_265] : memref<3x256x128xf32, #tpu.memory_space<vmem>> -> memref<1x256x128xf32, #tpu.memory_space<vmem>>
    %dma_start3A_267 = tpu.memref_squeeze %dma_start3A_266 : memref<1x256x128xf32, #tpu.memory_space<vmem>> -> memref<256x128xf32, #tpu.memory_space<vmem>>
    %dma_start3A_268 = arith.constant 0 : i32
    %dma_start3A_269 = tpu.memref_slice %arg4[%add3A_262, %dma_start3A_268] : memref<32768x128xf32, #tpu.memory_space<hbm>> -> memref<256x128xf32, #tpu.memory_space<hbm>>
    %dma_start3A_270 = arith.constant 0 : i32
    %dma_start3A_271 = tpu.memref_slice %arg4[%add3A_262, %dma_start3A_270] : memref<32768x128xf32, #tpu.memory_space<hbm>> -> memref<256x128xf32, #tpu.memory_space<hbm>>
    %dma_start3A_272 = arith.constant 0 : i32
    %dma_start3A_273 = arith.constant 0 : i32
    %dma_start3A_274 = tpu.memref_slice %arg6[%dma_start3A_263, %dma_start3A_272, %dma_start3A_273] : memref<3x256x128xf32, #tpu.memory_space<vmem>> -> memref<1x256x128xf32, #tpu.memory_space<vmem>>
    %dma_start3A_275 = tpu.memref_squeeze %dma_start3A_274 : memref<1x256x128xf32, #tpu.memory_space<vmem>> -> memref<256x128xf32, #tpu.memory_space<vmem>>
    tpu.enqueue_dma source(%dma_start3A_275 : memref<256x128xf32, #tpu.memory_space<vmem>>) target(%dma_start3A_271 : memref<256x128xf32, #tpu.memory_space<hbm>>) target_semaphore(%arg9 : memref<!tpu.dma_semaphore, #tpu.memory_space<semaphore_mem>>)
    %dma_wait3A_276 = arith.constant 1 : i32
    %dma_wait3A_277 = arith.constant 0 : i32
    %dma_wait3A_278 = arith.constant 0 : i32
    %dma_wait3A_279 = tpu.memref_slice %arg6[%dma_wait3A_276, %dma_wait3A_277, %dma_wait3A_278] : memref<3x256x128xf32, #tpu.memory_space<vmem>> -> memref<1x256x128xf32, #tpu.memory_space<vmem>>
    %dma_wait3A_280 = tpu.memref_squeeze %dma_wait3A_279 : memref<1x256x128xf32, #tpu.memory_space<vmem>> -> memref<256x128xf32, #tpu.memory_space<vmem>>
    %dma_wait3A_281 = arith.constant 0 : i32
    %dma_wait3A_282 = tpu.memref_slice %arg4[%add3A_147, %dma_wait3A_281] : memref<32768x128xf32, #tpu.memory_space<hbm>> -> memref<256x128xf32, #tpu.memory_space<hbm>>
    %dma_wait3A_283 = arith.constant 0 : i32
    %dma_wait3A_284 = tpu.memref_slice %arg4[%add3A_147, %dma_wait3A_283] : memref<32768x128xf32, #tpu.memory_space<hbm>> -> memref<256x128xf32, #tpu.memory_space<hbm>>
    %dma_wait3A_285 = arith.constant 0 : i32
    %dma_wait3A_286 = arith.constant 0 : i32
    %dma_wait3A_287 = tpu.memref_slice %arg6[%dma_wait3A_276, %dma_wait3A_285, %dma_wait3A_286] : memref<3x256x128xf32, #tpu.memory_space<vmem>> -> memref<1x256x128xf32, #tpu.memory_space<vmem>>
    %dma_wait3A_288 = tpu.memref_squeeze %dma_wait3A_287 : memref<1x256x128xf32, #tpu.memory_space<vmem>> -> memref<256x128xf32, #tpu.memory_space<vmem>>
    tpu.wait_dma2 semaphore(%arg9 : memref<!tpu.dma_semaphore, #tpu.memory_space<semaphore_mem>>) src(%dma_wait3A_288 : memref<256x128xf32, #tpu.memory_space<vmem>>) dst(%dma_wait3A_284 : memref<256x128xf32, #tpu.memory_space<hbm>>)
    %dma_wait3A_289 = arith.constant 2 : i32
    %dma_wait3A_290 = arith.constant 0 : i32
    %dma_wait3A_291 = arith.constant 0 : i32
    %dma_wait3A_292 = tpu.memref_slice %arg6[%dma_wait3A_289, %dma_wait3A_290, %dma_wait3A_291] : memref<3x256x128xf32, #tpu.memory_space<vmem>> -> memref<1x256x128xf32, #tpu.memory_space<vmem>>
    %dma_wait3A_293 = tpu.memref_squeeze %dma_wait3A_292 : memref<1x256x128xf32, #tpu.memory_space<vmem>> -> memref<256x128xf32, #tpu.memory_space<vmem>>
    %dma_wait3A_294 = arith.constant 0 : i32
    %dma_wait3A_295 = tpu.memref_slice %arg4[%add3A_223, %dma_wait3A_294] : memref<32768x128xf32, #tpu.memory_space<hbm>> -> memref<256x128xf32, #tpu.memory_space<hbm>>
    %dma_wait3A_296 = arith.constant 0 : i32
    %dma_wait3A_297 = tpu.memref_slice %arg4[%add3A_223, %dma_wait3A_296] : memref<32768x128xf32, #tpu.memory_space<hbm>> -> memref<256x128xf32, #tpu.memory_space<hbm>>
    %dma_wait3A_298 = arith.constant 0 : i32
    %dma_wait3A_299 = arith.constant 0 : i32
    %dma_wait3A_300 = tpu.memref_slice %arg6[%dma_wait3A_289, %dma_wait3A_298, %dma_wait3A_299] : memref<3x256x128xf32, #tpu.memory_space<vmem>> -> memref<1x256x128xf32, #tpu.memory_space<vmem>>
    %dma_wait3A_301 = tpu.memref_squeeze %dma_wait3A_300 : memref<1x256x128xf32, #tpu.memory_space<vmem>> -> memref<256x128xf32, #tpu.memory_space<vmem>>
    tpu.wait_dma2 semaphore(%arg9 : memref<!tpu.dma_semaphore, #tpu.memory_space<semaphore_mem>>) src(%dma_wait3A_301 : memref<256x128xf32, #tpu.memory_space<vmem>>) dst(%dma_wait3A_297 : memref<256x128xf32, #tpu.memory_space<hbm>>)
    %dma_wait3A_302 = arith.constant 0 : i32
    %dma_wait3A_303 = arith.constant 0 : i32
    %dma_wait3A_304 = arith.constant 0 : i32
    %dma_wait3A_305 = tpu.memref_slice %arg6[%dma_wait3A_302, %dma_wait3A_303, %dma_wait3A_304] : memref<3x256x128xf32, #tpu.memory_space<vmem>> -> memref<1x256x128xf32, #tpu.memory_space<vmem>>
    %dma_wait3A_306 = tpu.memref_squeeze %dma_wait3A_305 : memref<1x256x128xf32, #tpu.memory_space<vmem>> -> memref<256x128xf32, #tpu.memory_space<vmem>>
    %dma_wait3A_307 = arith.constant 0 : i32
    %dma_wait3A_308 = tpu.memref_slice %arg4[%add3A_262, %dma_wait3A_307] : memref<32768x128xf32, #tpu.memory_space<hbm>> -> memref<256x128xf32, #tpu.memory_space<hbm>>
    %dma_wait3A_309 = arith.constant 0 : i32
    %dma_wait3A_310 = tpu.memref_slice %arg4[%add3A_262, %dma_wait3A_309] : memref<32768x128xf32, #tpu.memory_space<hbm>> -> memref<256x128xf32, #tpu.memory_space<hbm>>
    %dma_wait3A_311 = arith.constant 0 : i32
    %dma_wait3A_312 = arith.constant 0 : i32
    %dma_wait3A_313 = tpu.memref_slice %arg6[%dma_wait3A_302, %dma_wait3A_311, %dma_wait3A_312] : memref<3x256x128xf32, #tpu.memory_space<vmem>> -> memref<1x256x128xf32, #tpu.memory_space<vmem>>
    %dma_wait3A_314 = tpu.memref_squeeze %dma_wait3A_313 : memref<1x256x128xf32, #tpu.memory_space<vmem>> -> memref<256x128xf32, #tpu.memory_space<vmem>>
    tpu.wait_dma2 semaphore(%arg9 : memref<!tpu.dma_semaphore, #tpu.memory_space<semaphore_mem>>) src(%dma_wait3A_314 : memref<256x128xf32, #tpu.memory_space<vmem>>) dst(%dma_wait3A_310 : memref<256x128xf32, #tpu.memory_space<hbm>>)
    return
  }
}

</mosaic_0001>

<sc_bundles>
// kernel: kernel.3.cloned.1.call-start
scs
__scs_entry_jumppad:
0x0: {  	(pc) =	sbr.rel $0x88, $3  }
0x1: {  	(tag) =	ssettag $0x0;
	lr =	simm.s32 $0x1  }
0x2: {  	[smem:$0x3F9E] =	sst lr;
	_ =	strace $0xD0000000  }
0x3: {  	_ = 	snop  }
0x4: {  	_ = 	snop  }
0x5: {  	_ = 	snop  }
0x6: {  	_ = 	snop  }
0x7: {  	_ = 	snop  }
__scs_overlays_trampoline_lowered:
0x8: {  	[smem:$0x3FAD] =	sst s0  }
0x9: {  	[smem:$0x3FAE] =	sst s1  }
0xa: {  	[smem:$0x3FAF] =	sst s2  }
0xb: {  	[smem:$0x3FB0] =	sst s3  }
0xc: {  	[smem:$0x3FB1] =	sst s4  }
0xd: {  	[smem:$0x3FB2] =	sst s5  }
0xe: {  	[smem:$0x3FB3] =	sst s6  }
0xf: {  	[smem:$0x3FB4] =	sst s7  }
0x10: {  	[smem:$0x3FB5] =	sst s8  }
0x11: {  	[smem:$0x3FB6] =	sst s9;
	s0 =	simm.s32 @!p0 $0x0  }
0x12: {  	s1 =	sld [smem:$0x3F9C];
	s0 =	simm.s32 @p0 $0x1  }
0x13: {  	[smem:$0x3FB7] =	sst s0;
	s0 =	simm.s32 @!p1 $0x0  }
0x14: {  	s2 =	sld [smem:$0x3F9B];
	s0 =	simm.s32 @p1 $0x1  }
0x15: {  	[smem:$0x3FB8] =	sst s0;
	s0 =	simm.s32 @!p2 $0x0  }
0x16: {  	s3 =	sld [smem:$0x3FDB];
	s0 =	simm.s32 @p2 $0x1  }
0x17: {  	s4 =	simm.s32 $0x1BF5;
	[smem:$0x3FBA] =	sst s0  }
0x18: {  	s0 =	sld [smem:$0x3F9D];
	_ =	swait.ge [sflag:s4], $0x0  }
0x19: {  	s7 =	sld [smem:$0x3F9E]  }
0x1a: {  	s8 =	sadd.s32 $0xFFFFE003, lr  }
0x1b: {  	s9 =	sadd.s32 $0xFFFFFEF7, lr;
	s5 =	simm.s32 $0xFFFFFFFF;
	p2 =	slt.u32 s8, $0xFFFFF086  }
0x1c: {  	p1 =	slt.u32 s9, $0xF7A;
	s5 =	simm.s32 @!p2 $0x0  }
0x1d: {  	s5 =	simm.s32 @p1 $0x1;
	p0 =	seq.s32 s7, s2  }
0x1e: {  	s7 =	smul.u32 @!p0 $0xF7A, s2;
	p2 =	seq.s32 @!p0 s5, $0x0  }
0x1f: {  	s9 =	smul.u32 $0xF7A, s1;
	s8 =	simm.s32 @!p0 $0x1BF5;
	p2 =	por !p2, p0  }
0x20: {  	[sflag:s8] =	ssyncset.s32 @!p0 $0xFFFFF086;
	s6 =	sadd.s32 @!p0 s3, s7;
	s7 =	simm.s32 @!p0 $0x108  }
0x21: {  	s3 =	sadd.s32 s3, s9;
	s6 =	sadd.s32 @!p0 $0x88, s6;
	s7 =	simm.s32 @p2 $0x1082  }
0x22: {  	[simem:s7], [sflag:s8] =	dma.local @!p0 [hbm:s6], $0xF7A  }
0x23: {  	s9 =	sor.u32 $0xD0000000, s2;
	s6 =	simm.s32 $0x108;
	_ =	swait.ge @!p0 [sflag:s8], $0x0  }
0x24: {  	s3 =	sadd.s32 $0x88, s3;
	s6 =	simm.s32 @!p1 $0x1082;
	[sflag:s4] =	ssyncset.s32 $0xFFFFF086  }
0x25: {  	[simem:s6], [sflag:s4] =	dma.local [hbm:s3], $0xF7A  }
0x26: {  	[smem:$0x3F9E] =	sst s1;
	(tag) =	ssettag s2;
	_ =	strace s9  }
0x27: {  	s1 =	sld [smem:$0x3FAE]  }
0x28: {  	s2 =	sld [smem:$0x3FAF]  }
0x29: {  	s4 =	sld [smem:$0x3FB1]  }
0x2a: {  	p0 =	seq.s32 s5, $0x0;
	s5 =	sld [smem:$0x3FB2]  }
0x2b: {  	s6 =	sld [smem:$0x3FB3]  }
0x2c: {  	s7 =	sld [smem:$0x3FB4]  }
0x2d: {  	s3 =	simm.s32 $0x108;
	s8 =	sld [smem:$0x3FB5]  }
0x2e: {  	s3 =	simm.s32 @!p0 $0x1082;
	s9 =	sld [smem:$0x3FB6]  }
0x2f: {  	lr =	sadd.s32 s0, s3;
	s0 =	sld [smem:$0x3FAD]  }
0x30: {  	s3 =	sld [smem:$0x3FB0]  }
0x31: {  	[smem:$0x3FB9] =	sst s10  }
0x32: {  	s10 =	sld [smem:$0x3FB7];
	_ =	sdelay $0x3  }
0x33: {  	p0 =	seq.s32 s10, $0x1;
	s10 =	sld [smem:$0x3FB9];
	_ =	sdelay $0x3  }
0x34: {  	[smem:$0x3FB9] =	sst s10  }
0x35: {  	s10 =	sld [smem:$0x3FB8];
	_ =	sdelay $0x3  }
0x36: {  	p1 =	seq.s32 s10, $0x1;
	s10 =	sld [smem:$0x3FB9];
	_ =	sdelay $0x3  }
0x37: {  	[smem:$0x3FB9] =	sst s10  }
0x38: {  	s10 =	sld [smem:$0x3FBA]  }
0x39: {  	_ = 	snop;
	(pc) =	sbr.ind lr, $3  }
0x3a: {  	_ = 	snop  }
0x3b: {  	_ = 	snop  }
0x3c: {  	p2 =	seq.s32 s10, $0x1;
	s10 =	sld [smem:$0x3FB9]  }
0x3d: {  	_ =	shalt  }
0x3e: {  	_ =	shalt  }
0x3f: {  	_ =	shalt  }
0x40: {  	_ =	shalt  }
0x41: {  	_ =	shalt  }
0x42: {  	_ =	shalt  }
0x43: {  	_ =	shalt  }
0x44: {  	_ =	shalt  }
0x45: {  	_ =	shalt  }
0x46: {  	_ =	shalt  }
0x47: {  	_ =	shalt  }
0x48: {  	_ =	shalt  }
0x49: {  	_ =	shalt  }
0x4a: {  	_ =	shalt  }
0x4b: {  	_ =	shalt  }
0x4c: {  	_ =	shalt  }
0x4d: {  	_ =	shalt  }
0x4e: {  	_ =	shalt  }
0x4f: {  	_ =	shalt  }
0x50: {  	_ =	shalt  }
0x51: {  	_ =	shalt  }
0x52: {  	_ =	shalt  }
0x53: {  	_ =	shalt  }
0x54: {  	_ =	shalt  }
0x55: {  	_ =	shalt  }
0x56: {  	_ =	shalt  }
0x57: {  	_ =	shalt  }
0x58: {  	_ =	shalt  }
0x59: {  	_ =	shalt  }
0x5a: {  	_ =	shalt  }
0x5b: {  	_ =	shalt  }
0x5c: {  	_ =	shalt  }
0x5d: {  	_ =	shalt  }
0x5e: {  	_ =	shalt  }
0x5f: {  	_ =	shalt  }
0x60: {  	_ =	shalt  }
0x61: {  	_ =	shalt  }
0x62: {  	_ =	shalt  }
0x63: {  	_ =	shalt  }
0x64: {  	_ =	shalt  }
0x65: {  	_ =	shalt  }
0x66: {  	_ =	shalt  }
0x67: {  	_ =	shalt  }
0x68: {  	_ =	shalt  }
0x69: {  	_ =	shalt  }
0x6a: {  	_ =	shalt  }
0x6b: {  	_ =	shalt  }
0x6c: {  	_ =	shalt  }
0x6d: {  	_ =	shalt  }
0x6e: {  	_ =	shalt  }
0x6f: {  	_ =	shalt  }
0x70: {  	_ =	shalt  }
0x71: {  	_ =	shalt  }
0x72: {  	_ =	shalt  }
0x73: {  	_ =	shalt  }
0x74: {  	_ =	shalt  }
0x75: {  	_ =	shalt  }
0x76: {  	_ =	shalt  }
0x77: {  	_ =	shalt  }
0x78: {  	_ =	shalt  }
0x79: {  	_ =	shalt  }
0x7a: {  	_ =	shalt  }
0x7b: {  	_ =	shalt  }
0x7c: {  	_ =	shalt  }
0x7d: {  	_ =	shalt  }
0x7e: {  	_ =	shalt  }
0x7f: {  	_ =	shalt  }
0x80: {  	_ =	shalt  }
0x81: {  	_ =	shalt  }
0x82: {  	_ =	shalt  }
0x83: {  	_ =	shalt  }
0x84: {  	_ =	shalt  }
0x85: {  	_ =	shalt  }
0x86: {  	_ =	shalt  }
0x87: {  	_ =	shalt  }
.Lfunc_end0:
.L_simem_size_0:
called_computation_lowered:
.L_overlay_start_0:
0x88: {  	s2 =	sld [smem:$0x3FD9]  }
0x89: {  	s3 =	sld [smem:$0x3FFE];
	_ =	sdelay $0x1  }
0x8a: {  	s1 =	srdreg.scid  }
0x8b: {  	s0 =	sand.u32 $0x1, s1  }
0x8c: {  	s17 =	sshll.u32 s0, $0xA;
	s2 =	sadd.s32 s3, s2  }
0x8d: {  	s2 =	sadd.s32 s2, s17  }
0x8e: {  	[smem:$0x3FC5] =	sst s2  }
0x8f: {  	_ = 	snop  }
0x90: {  	s2 =	sld [smem:$0x3FC9]  }
0x91: {  	s18 =	sld [smem:$0x3FD0];
	(tm) =	ssettm $0x1  }
0x92: {  	s4 =	sld [smem:$0x3FFB];
	_ =	sdelay $0x3  }
0x93: {  	_ =	strace s4  }
0x94: {  	s4 =	sld [smem:$0x3FFC];
	_ =	sdelay $0x3  }
0x95: {  	_ =	strace s4  }
0x96: {  	s4 =	sld [smem:$0x3FFD];
	_ =	sdelay $0x3  }
0x97: {  	_ =	strace s4  }
0x98: {  	_ =	strace $0x8FFFFFFF  }
0x99: {  	s19 =	sld [smem:$0x3FDB];
	_ =	sdelay $0x1  }
0x9a: {  	s5 =	simm.s32 $_scs_section_size  }
0x9b: {  	s6 =	simm.s32 $_size__tile_overlayer_lowered;
	s7 =	simm.s32 $_tile_overlayer_lowered  }
0x9c: {  	s22 =	simm.s32 $0x1BFF;
	s21 =	sshll.u32 s7, $0x1;
	s4 =	sadd.s32 s5, s19  }
0x9d: {  	s8 =	simm.s32 $0x0;
	s20 =	sshll.u32 s6, $0x1;
	s6 =	sadd.s32 s21, s4  }
0x9e: {  	[timem:s8], [sflag:s22] =	dma.local [hbm:s6], s20  }
0x9f: {  	_ =	swait.ge [sflag:s22], s20  }
0xa0: {  	s5 =	ssub.s32 $0x0, s20;
	[sflag:s22] =	ssyncset.done $0x0  }
0xa1: {  	[sflag:s22] =	ssyncadd.s32 s5;
	_ =	sdelay $0x1  }
0xa2: {  	s23 =	simm.s32 $0x1B8B  }
0xa3: {  	_ =	swait.ge [sflag:s23], $0x1  }
0xa4: {  	[sflag:s23] =	ssyncset.done $0x0  }
0xa5: {  	s25 =	simm.s32 $0x1B8E;
	s24 =	sld [smem:$0x3FFE];
	[sflag:s23] =	ssyncadd.s32 $0xFFFFFFFF  }
0xa6: {  	s26 =	simm.s32 $execute0_lowered;
	[smem:$0x3FD2] =	sst s25  }
0xa7: {  	s6 =	sshll.u32 s26, $0x1;
	_ =	strace $0x80000046;
	[dreg:$0x1] =	wrdreg $0xFFFFFFFF  }
0xa8: {  	s28 =	simm.s32 $_size_execute0_lowered;
	s4 =	sadd.s32 s4, s6;
	[dreg:$0x0] =	wrdreg $0x0  }
0xa9: {  	s6 =	sshll.u32 s28, $0x1;
	[dreg:$0x2] =	wrdreg s4  }
0xaa: {  	[dreg:$0x3] =	wrdreg s6  }
0xab: {  	[dreg:$0x4] =	wrdreg $0xC0  }
0xac: {  	_ =	task [dreg:s8], $0x5FFFF  }
0xad: {  	[dreg:$0x1] =	wrdreg $0xFFFFFFFF  }
0xae: {  	[dreg:$0x0] =	wrdreg $0x60  }
0xaf: {  	[dreg:$0x2] =	wrdreg s2  }
0xb0: {  	[dreg:$0x3] =	wrdreg s24  }
0xb1: {  	[dreg:$0x4] =	wrdreg s18  }
0xb2: {  	[dreg:$0x5] =	wrdreg $0x9  }
0xb3: {  	_ =	task.clear_ibuf [dreg:s8], $0x6FFFF;
	_ =	strace $0x90000046  }
0xb4: {  	s29 =	simm.s32 $0x9;
	_ =	strace $0x80000048  }
0xb5: {  	_ =	swait.ge [sflag:s29], $0x1  }
0xb6: {  	[sflag:s29] =	ssyncadd.s32 $0xFFFFFFFF  }
0xb7: {  	_ =	strace $0x90000048  }
0xb8: {  	_ =	sfence  }
0xb9: {  	s30 =	sld [smem:$0x0];
	_ =	sdelay $0x2  }
0xba: {  	s31 =	sshll.u32 s1, $0xD;
	s1 =	sshrl.u32 s1, $0x2  }
0xbb: {  	s3 =	sand.u32 $0x4000, s31;
	s1 =	sadd.s32 s1, s30  }
0xbc: {  	s0 =	sor.u32 s3, s0;
	s1 =	sshll.u32 s1, $0x11  }
0xbd: {  	s0 =	sor.u32 s1, s0  }
0xbe: {  	s0 =	sadd.s32 $0x8F2B, s0  }
0xbf: {  	[sflag:s0] =	ssyncadd.remote.s32 $0x1  }
0xc0: {  	_ =	sfence.sel $0xFFFF  }
0xc1: {  	[dreg:$0x0] =	wrdreg $0xFFFFFFFF;
	(pc) =	sbr.abs _section_cstart, $3  }
0xc2: {  	[dreg:$0x1] =	wrdreg $0xFFFFFFFF  }
0xc3: {  	_ =	task.clear_ibuf [dreg:s8], $0x2FFFF;
	_ =	strace $0x9FFFFFFF  }
0xc4: {  	(tm) =	ssettm $0x7FFFFFFF  }
0xc5: {  	_ =	shalt  }
tec
execute0_lowered:
.L_overlay_start_1:
0x0: {  	(tag) =	ssettag $0x1  }
0x1: {  	s1 =	rddreg [dreg:$0x0]  }
0x2: {  	s2 =	srdreg.scid;
	s0 =	stileid.u32  }
0x3: {  	s4 =	rddreg [dreg:$0x1];
	s25 =	sand.u32 $0x1, s2;
	s31 =	sshll.u32 s0, $0x1  }
0x4: {  	s14 =	rddreg [dreg:$0x2];
	s15 =	sor.u32 s25, s31  }
0x5: {  	s3 =	simm.s32 $0x0;
	s2 =	rddreg [dreg:$0x3];
	s5 =	sshll.u32 s15, $0x7  }
0x6: {  	[smem:$0x7FF] =	sst s3;
	s4 =	sadd.s32 s5, s4  }
0x7: {  	_ =	strace $0x80000047;
	s5 =	simm.s32 $0x1;
	s4 =	sadd.s32 $0x400, s4  }
0x8: {  	[tilespmem:s3], [sflag:$0x1] =	stream.linear.gather [hbm4b:s4+s3], $0x400, $0x38;
	[tilespmem:$0x18400] =	vst v63  }
0x9: {  	_ =	swait.ge [sflag:s5], $0x400  }
0xa: {  	[sflag:s5] =	ssyncset.done $0x0  }
0xb: {  	s6 =	simm.s32 $0x80;
	s7 =	simm.s32 $0x400;
	[sflag:s5] =	ssyncadd.s32 $0xFFFFFC00  }
0xc: {  	[tilespmem:s7], [sflag:$0x2] =	stream.indirect.gather [hbm4b:s1+s6], $0x80, s3, s6, $0xb8;
	[tilespmem:$0x18400] =	vst v63  }
0xd: {  	s8 =	simm.s32 $0x4400  }
0xe: {  	[tilespmem:s8], [sflag:$0x2] =	stream.indirect.gather [hbm4b:s1+s6], $0x80, s6, s6, $0xb8;
	[tilespmem:$0x18400] =	vst v63  }
0xf: {  	s9 =	simm.s32 $0x100;
	s10 =	simm.s32 $0x8400  }
0x10: {  	[tilespmem:s10], [sflag:$0x2] =	stream.indirect.gather [hbm4b:s1+s6], $0x80, s9, s6, $0xb8;
	[tilespmem:$0x18400] =	vst v63  }
0x11: {  	s11 =	simm.s32 $0x180;
	s12 =	simm.s32 $0xC400;
	s13 =	simm.s32 $0x2  }
0x12: {  	[tilespmem:s12], [sflag:$0x2] =	stream.indirect.gather [hbm4b:s1+s6], $0x80, s11, s6, $0xb8;
	[tilespmem:$0x18400] =	vst v63  }
0x13: {  	_ =	swait.ge [sflag:s13], $0x4000  }
0x14: {  	[sflag:s13] =	ssyncset.done $0x0  }
0x15: {  	[sflag:s13] =	ssyncadd.s32 $0xFFFFC000  }
0x16: {  	_ =	swait.ge [sflag:s13], $0x4000  }
0x17: {  	s15 =	sshll.u32 s15, $0xE;
	[sflag:s13] =	ssyncset.done $0x0  }
0x18: {  	s14 =	sadd.s32 s14, s15;
	[sflag:s13] =	ssyncadd.s32 $0xFFFFC000  }
0x19: {  	[hbm4b:s14+s3] =	stream.linear.scatter [tilespmem:s7], [sflag:$0x3], $0x8000, $0x38;
	[tilespmem:$0x18400] =	vst v63  }
0x1a: {  	s16 =	simm.s32 $0x10400;
	s15 =	simm.s32 $0x200  }
0x1b: {  	[tilespmem:s16], [sflag:$0x2] =	stream.indirect.gather [hbm4b:s1+s6], $0x80, s15, s6, $0xb8;
	[tilespmem:$0x18400] =	vst v63  }
0x1c: {  	s17 =	simm.s32 $0x280;
	s18 =	simm.s32 $0x14400  }
0x1d: {  	[tilespmem:s18], [sflag:$0x2] =	stream.indirect.gather [hbm4b:s1+s6], $0x80, s17, s6, $0xb8;
	[tilespmem:$0x18400] =	vst v63  }
0x1e: {  	_ =	swait.ge [sflag:s13], $0x4000  }
0x1f: {  	[sflag:s13] =	ssyncset.done $0x0  }
0x20: {  	[sflag:s13] =	ssyncadd.s32 $0xFFFFC000  }
0x21: {  	_ =	swait.ge [sflag:s13], $0x4000  }
0x22: {  	[sflag:s13] =	ssyncset.done $0x0  }
0x23: {  	s19 =	simm.s32 $0x3;
	s20 =	sadd.s32 $0x1000, s14;
	[sflag:s13] =	ssyncadd.s32 $0xFFFFC000  }
0x24: {  	[hbm4b:s20+s3] =	stream.linear.scatter [tilespmem:s10], [sflag:$0x3], $0x8000, $0x38;
	[tilespmem:$0x18400] =	vst v63  }
0x25: {  	_ =	swait.ge [sflag:s19], $0x8000  }
0x26: {  	[sflag:s19] =	ssyncset.done $0x0  }
0x27: {  	s21 =	simm.s32 $0x300;
	[sflag:s19] =	ssyncadd.s32 $0xFFFF8000  }
0x28: {  	[tilespmem:s7], [sflag:$0x2] =	stream.indirect.gather [hbm4b:s1+s6], $0x80, s21, s6, $0xb8;
	[tilespmem:$0x18400] =	vst v63  }
0x29: {  	s22 =	simm.s32 $0x380  }
0x2a: {  	[tilespmem:s8], [sflag:$0x2] =	stream.indirect.gather [hbm4b:s1+s6], $0x80, s22, s6, $0xb8;
	[tilespmem:$0x18400] =	vst v63  }
0x2b: {  	_ =	swait.ge [sflag:s13], $0x4000  }
0x2c: {  	[sflag:s13] =	ssyncset.done $0x0  }
0x2d: {  	[sflag:s13] =	ssyncadd.s32 $0xFFFFC000  }
0x2e: {  	_ =	swait.ge [sflag:s13], $0x4000  }
0x2f: {  	[sflag:s13] =	ssyncset.done $0x0  }
0x30: {  	s23 =	sadd.s32 $0x2000, s14;
	[sflag:s13] =	ssyncadd.s32 $0xFFFFC000  }
0x31: {  	[hbm4b:s23+s3] =	stream.linear.scatter [tilespmem:s16], [sflag:$0x3], $0x8000, $0x38;
	[tilespmem:$0x18400] =	vst v63  }
0x32: {  	_ =	swait.ge [sflag:s13], $0x4000  }
0x33: {  	[sflag:s13] =	ssyncset.done $0x0  }
0x34: {  	[sflag:s13] =	ssyncadd.s32 $0xFFFFC000  }
0x35: {  	_ =	swait.ge [sflag:s13], $0x4000  }
0x36: {  	s25 =	ssub.s32 $0x2, s25;
	[sflag:s13] =	ssyncset.done $0x0  }
0x37: {  	s26 =	sshrl.u32 s25, $0x1;
	s24 =	sadd.s32 $0x3000, s14;
	[sflag:s13] =	ssyncadd.s32 $0xFFFFC000  }
0x38: {  	[hbm4b:s24+s3] =	stream.linear.scatter [tilespmem:s7], [sflag:$0x3], $0x8000, $0x38;
	[tilespmem:$0x18400] =	vst v63  }
0x39: {  	s25 =	ssub.s32 s25, s26;
	_ =	swait.ge [sflag:s19], $0x8000  }
0x3a: {  	s25 =	smax.u32 s25, $0x1;
	[sflag:s19] =	ssyncset.done $0x0  }
0x3b: {  	p0 =	sne.s32 s25, $0x1;
	[sflag:s19] =	ssyncadd.s32 $0xFFFF8000  }
.Ltmp0:
0x3c: {  	_ =	swait.ge [sflag:s19], $0x8000;
	(pc) =	sbr.rel @!p0 .LBB2_2-.Ltmp0, $4  }
0x3d: {  	[sflag:s19] =	ssyncset.done $0x0  }
0x3e: {  	[sflag:s19] =	ssyncadd.s32 $0xFFFF8000  }
0x3f: {  	_ =	swait.ge [sflag:s19], $0x8000  }
0x40: {  	s25 =	sadd.s32 $0xFFFFFFFF, s25;
	[sflag:s19] =	ssyncset.done $0x0  }
.LBB2_1:
0x41: {  	p0 =	sne.s32 s25, $0x1;
	s25 =	sadd.s32 $0xFFFFFFFF, s25;
	[sflag:s19] =	ssyncadd.s32 $0xFFFF8000  }
0x42: {  	[tilespmem:s3], [sflag:$0x1] =	stream.linear.gather [hbm4b:s4+s3], $0x400, $0x38;
	[tilespmem:$0x18400] =	vst v63  }
0x43: {  	_ =	swait.ge [sflag:s5], $0x400  }
0x44: {  	[sflag:s5] =	ssyncset.done $0x0  }
0x45: {  	[sflag:s5] =	ssyncadd.s32 $0xFFFFFC00  }
0x46: {  	[tilespmem:s7], [sflag:$0x2] =	stream.indirect.gather [hbm4b:s1+s6], $0x80, s3, s6, $0xb8;
	[tilespmem:$0x18400] =	vst v63  }
0x47: {  	_ = 	snop  }
0x48: {  	[tilespmem:s8], [sflag:$0x2] =	stream.indirect.gather [hbm4b:s1+s6], $0x80, s6, s6, $0xb8;
	[tilespmem:$0x18400] =	vst v63  }
0x49: {  	_ = 	snop  }
0x4a: {  	[tilespmem:s10], [sflag:$0x2] =	stream.indirect.gather [hbm4b:s1+s6], $0x80, s9, s6, $0xb8;
	[tilespmem:$0x18400] =	vst v63  }
0x4b: {  	_ = 	snop  }
0x4c: {  	[tilespmem:s12], [sflag:$0x2] =	stream.indirect.gather [hbm4b:s1+s6], $0x80, s11, s6, $0xb8;
	[tilespmem:$0x18400] =	vst v63  }
0x4d: {  	_ =	swait.ge [sflag:s13], $0x4000  }
0x4e: {  	[sflag:s13] =	ssyncset.done $0x0  }
0x4f: {  	[sflag:s13] =	ssyncadd.s32 $0xFFFFC000  }
0x50: {  	_ =	swait.ge [sflag:s13], $0x4000  }
0x51: {  	[sflag:s13] =	ssyncset.done $0x0  }
0x52: {  	[sflag:s13] =	ssyncadd.s32 $0xFFFFC000  }
0x53: {  	[hbm4b:s14+s3] =	stream.linear.scatter [tilespmem:s7], [sflag:$0x3], $0x8000, $0x38;
	[tilespmem:$0x18400] =	vst v63  }
0x54: {  	_ = 	snop  }
0x55: {  	[tilespmem:s16], [sflag:$0x2] =	stream.indirect.gather [hbm4b:s1+s6], $0x80, s15, s6, $0xb8;
	[tilespmem:$0x18400] =	vst v63  }
0x56: {  	_ = 	snop  }
0x57: {  	[tilespmem:s18], [sflag:$0x2] =	stream.indirect.gather [hbm4b:s1+s6], $0x80, s17, s6, $0xb8;
	[tilespmem:$0x18400] =	vst v63  }
0x58: {  	_ =	swait.ge [sflag:s13], $0x4000  }
0x59: {  	[sflag:s13] =	ssyncset.done $0x0  }
0x5a: {  	[sflag:s13] =	ssyncadd.s32 $0xFFFFC000  }
0x5b: {  	_ =	swait.ge [sflag:s13], $0x4000  }
0x5c: {  	[sflag:s13] =	ssyncset.done $0x0  }
0x5d: {  	[sflag:s13] =	ssyncadd.s32 $0xFFFFC000  }
0x5e: {  	[hbm4b:s20+s3] =	stream.linear.scatter [tilespmem:s10], [sflag:$0x3], $0x8000, $0x38;
	[tilespmem:$0x18400] =	vst v63  }
0x5f: {  	_ =	swait.ge [sflag:s19], $0x8000  }
0x60: {  	[sflag:s19] =	ssyncset.done $0x0  }
0x61: {  	[sflag:s19] =	ssyncadd.s32 $0xFFFF8000  }
0x62: {  	[tilespmem:s7], [sflag:$0x2] =	stream.indirect.gather [hbm4b:s1+s6], $0x80, s21, s6, $0xb8;
	[tilespmem:$0x18400] =	vst v63  }
0x63: {  	_ = 	snop  }
0x64: {  	[tilespmem:s8], [sflag:$0x2] =	stream.indirect.gather [hbm4b:s1+s6], $0x80, s22, s6, $0xb8;
	[tilespmem:$0x18400] =	vst v63  }
0x65: {  	_ =	swait.ge [sflag:s13], $0x4000  }
0x66: {  	[sflag:s13] =	ssyncset.done $0x0  }
0x67: {  	[sflag:s13] =	ssyncadd.s32 $0xFFFFC000  }
0x68: {  	_ =	swait.ge [sflag:s13], $0x4000  }
0x69: {  	[sflag:s13] =	ssyncset.done $0x0  }
0x6a: {  	[sflag:s13] =	ssyncadd.s32 $0xFFFFC000  }
0x6b: {  	[hbm4b:s23+s3] =	stream.linear.scatter [tilespmem:s16], [sflag:$0x3], $0x8000, $0x38;
	[tilespmem:$0x18400] =	vst v63  }
0x6c: {  	_ =	swait.ge [sflag:s13], $0x4000  }
0x6d: {  	[sflag:s13] =	ssyncset.done $0x0  }
0x6e: {  	[sflag:s13] =	ssyncadd.s32 $0xFFFFC000  }
0x6f: {  	_ =	swait.ge [sflag:s13], $0x4000  }
0x70: {  	[sflag:s13] =	ssyncset.done $0x0  }
0x71: {  	[sflag:s13] =	ssyncadd.s32 $0xFFFFC000  }
0x72: {  	[hbm4b:s24+s3] =	stream.linear.scatter [tilespmem:s7], [sflag:$0x3], $0x8000, $0x38;
	[tilespmem:$0x18400] =	vst v63  }
0x73: {  	_ =	swait.ge [sflag:s19], $0x8000  }
0x74: {  	[sflag:s19] =	ssyncset.done $0x0  }
0x75: {  	[sflag:s19] =	ssyncadd.s32 $0xFFFF8000  }
.Ltmp1:
0x76: {  	_ =	swait.ge [sflag:s19], $0x8000;
	(pc) =	sbr.rel @p0 .LBB2_1-.Ltmp1, $4  }
0x77: {  	[sflag:s19] =	ssyncset.done $0x0  }
0x78: {  	[sflag:s19] =	ssyncadd.s32 $0xFFFF8000  }
0x79: {  	_ =	swait.ge [sflag:s19], $0x8000  }
0x7a: {  	[sflag:s19] =	ssyncset.done $0x0  }
.LBB2_2:
0x7b: {  	[sflag:s19] =	ssyncadd.s32 $0xFFFF8000  }
0x7c: {  	_ =	sfence.sel $0x180000  }
0x7d: {  	[bflag:$0x0] =	sbarrier.arrive $0xFFFF  }
0x7e: {  	p0 =	sne.s32 s0, $0x0;
	_ =	strace $0x90000047  }
0x7f: {  	s0 =	sadd.s32 @!p0 $0x100000, s2;
	[bflag:$0x2] =	sbarrier.arrive $0xFFFF  }
0x80: {  	[sflag:s0] =	ssyncadd.tile.s32 @!p0 $0x1;
	_ =	shalt  }
.Lfunc_end2:
_tile_overlayer_lowered:
.L_overlay_start_2:
0x81: {  	(tag) =	ssettag $0x2  }
0x82: {  	s0 =	rddreg [dreg:$0x0];
	s2 =	stileid.u32  }
0x83: {  	s1 =	rddreg [dreg:$0x1];
	p0 =	sne.s32 s2, $0x0  }
0x84: {  	s3 =	rddreg [dreg:$0x2];
	[bflag:$0x3] =	sbarrier.arrive $0xFFFF;
	s2 =	simm.s32 @!p0 $0x1C04  }
0x85: {  	[timem:s3], [sflag:s2] =	dma.local @!p0 [hbm:s0], s1  }
0x86: {  	s0 =	simm.s32 @!p0 $0x4  }
0x87: {  	_ =	swait.ge @!p0 [sflag:s0], s1  }
0x88: {  	s1 =	ssub.s32 @!p0 $0x0, s1;
	[sflag:s0] =	ssyncset.done @!p0 $0x0  }
0x89: {  	[sflag:s0] =	ssyncadd.s32 @!p0 s1  }
0x8a: {  	[bflag:$0x3] =	sbarrier.arrive $0xFFFF  }
0x8b: {  	_ =	shalt  }

</sc_bundles>
